<compile_context>
chip_gen: v7x
topology: tpu7x:2x2x1
jax: 0.10.2.dev20260603
libtpu: 0.0.44.dev20260713+nightly
codegen_flags: <defaults>
</compile_context>

<pallas_src>
import dataclasses
import functools

import numpy as np
import jax
import jax.numpy as jnp
from jax import lax
from jax.experimental import pallas as pl
from jax.experimental.pallas import tpu as pltpu
from jax.experimental.pallas import tpu_sc as plsc

_NB = 3
_D = 256

_GUMBEL = np.array([0x3EAB0E4A, 0x3F73B78C, 0x3F39BC5F],
                   dtype=np.uint32).view(np.float32)


def kernel(X, W, b):
    g = _GUMBEL
    x = jnp.reshape(X, (_D,))
    w = jnp.reshape(W, (_NB * _D,))

    mesh = plsc.ScalarSubcoreMesh(axis_name="c", num_cores=1)
    cp = pltpu.CompilerParams()
    if "needs_layout_passes" in pltpu.CompilerParams.__dataclass_fields__:
        cp = dataclasses.replace(cp, needs_layout_passes=False)

    @functools.partial(
        pl.kernel,
        out_type=jax.ShapeDtypeStruct((1,), jnp.int32),
        mesh=mesh,
        compiler_params=cp,
        scratch_types=[
            pltpu.SMEM((_D,), jnp.float32),
            pltpu.SMEM((_NB * _D,), jnp.float32),
            pltpu.SMEM((_NB,), jnp.float32),
            pltpu.SMEM((1,), jnp.int32),
            pltpu.SemaphoreType.DMA,
        ],
    )
    def route(x_hbm, w_hbm, b_hbm, o_hbm, xs, ws, bs, os_, sem):
        cx = pltpu.async_copy(x_hbm, xs, sem)
        cw = pltpu.async_copy(w_hbm, ws, sem)
        cb = pltpu.async_copy(b_hbm, bs, sem)
        cx.wait()
        cw.wait()
        cb.wait()

        def body(i, carry):
            a0, a1, a2 = carry
            xi = xs[i]
            a0 = a0 + ws[i] * xi
            a1 = a1 + ws[_D + i] * xi
            a2 = a2 + ws[2 * _D + i] * xi
            return a0, a1, a2

        init = (bs[0] + float(g[0]), bs[1] + float(g[1]), bs[2] + float(g[2]))
        s0, s1, s2 = lax.fori_loop(0, _D, body, init)

        i01 = jnp.where(s1 > s0, 1, 0)
        best = jnp.maximum(s0, s1)
        os_[0] = jnp.where(s2 > best, 2, i01).astype(jnp.int32)
        pltpu.async_copy(os_, o_hbm, sem).wait()

    return route(x, w, b)

# --- scband reference (transcript-rebuilt; emitter-appended) ---
"""Pipeline reference for scband-routeur-23587960389894 (READ-ONLY COPY).

The authoritative reference and input builder live on the scoring server;
editing this copy changes nothing except your own understanding.
"""

import jax, jax.numpy as jnp
import numpy as np

CONTEXT_LENGTH = 16
EMBEDDING_DIM = 16
NUMBER_OF_BLOCKS = 2


def setup_inputs(seed: int = 0) -> dict:
    key = jax.random.key(seed)
    k1, k2, k3 = jax.random.split(key, 3)
    X = jax.random.normal(k1, (CONTEXT_LENGTH, EMBEDDING_DIM), dtype=jnp.float32)
    fan_in = CONTEXT_LENGTH * EMBEDDING_DIM
    bound = 1.0 / np.sqrt(fan_in)
    W = jax.random.uniform(k2, (NUMBER_OF_BLOCKS + 1, fan_in), dtype=jnp.float32, minval=-bound, maxval=bound)
    b = jax.random.uniform(k3, (NUMBER_OF_BLOCKS + 1,), dtype=jnp.float32, minval=-bound, maxval=bound)
    return {"X": X, "W": W, "b": b}


def reference(X, W, b):
    # torch.flatten(X, start_dim=0) -> 1-D vector of length 256
    x = jnp.reshape(X, (-1,))
    # nn.Linear: logits = x @ W.T + b  (W stored torch-style [out, in])
    logits = W @ x + b
    # nn.Softmax(dim=0) over the 3 routing logits
    probs = jax.nn.softmax(logits, axis=0)
    # torch.multinomial(probs, 1): sample one index from the categorical
    # distribution (fixed key for reproducibility)
    idx = jax.random.categorical(jax.random.key(42), jnp.log(probs))
    return jnp.reshape(idx, (1,)).astype(jnp.int32)

if __name__ == "__main__":
    import jax
    _d = setup_inputs()
    print(jax.jit(kernel)(*tuple(_d.values())))

</pallas_src>

<mosaic_0001>
#map = affine_map<(d0) -> (0)>
module attributes {stable_mosaic.version = 14 : i64} {
  func.func @route(%arg0: i32, %arg1: memref<256xf32, #tpu.memory_space<hbm>>, %arg2: memref<768xf32, #tpu.memory_space<hbm>>, %arg3: memref<3xf32, #tpu.memory_space<hbm>>, %arg4: memref<1xi32, #tpu.memory_space<hbm>>, %arg5: memref<256xf32, #tpu.memory_space<smem>>, %arg6: memref<768xf32, #tpu.memory_space<smem>>, %arg7: memref<3xf32, #tpu.memory_space<smem>>, %arg8: memref<1xi32, #tpu.memory_space<smem>>, %arg9: memref<!tpu.dma_semaphore, #tpu.memory_space<semaphore_mem>>) attributes {dimension_semantics = [#tpu.dimension_semantics<core_parallel>], iteration_bounds = array<i64: 1>, scalar_prefetch = 0 : i64, scratch_operands = 5 : i64, tpu.core_type = #tpu.core_type<sc_scalar_subcore>, window_params = [{transform_indices = #map}, {transform_indices = #map}, {transform_indices = #map}, {transform_indices = #map}]} {
    tpu.enqueue_dma source(%arg1 : memref<256xf32, #tpu.memory_space<hbm>>) target(%arg5 : memref<256xf32, #tpu.memory_space<smem>>) target_semaphore(%arg9 : memref<!tpu.dma_semaphore, #tpu.memory_space<semaphore_mem>>)
    tpu.enqueue_dma source(%arg2 : memref<768xf32, #tpu.memory_space<hbm>>) target(%arg6 : memref<768xf32, #tpu.memory_space<smem>>) target_semaphore(%arg9 : memref<!tpu.dma_semaphore, #tpu.memory_space<semaphore_mem>>)
    tpu.enqueue_dma source(%arg3 : memref<3xf32, #tpu.memory_space<hbm>>) target(%arg7 : memref<3xf32, #tpu.memory_space<smem>>) target_semaphore(%arg9 : memref<!tpu.dma_semaphore, #tpu.memory_space<semaphore_mem>>)
    tpu.wait_dma2 semaphore(%arg9 : memref<!tpu.dma_semaphore, #tpu.memory_space<semaphore_mem>>) src(%arg1 : memref<256xf32, #tpu.memory_space<hbm>>) dst(%arg5 : memref<256xf32, #tpu.memory_space<smem>>)
    tpu.wait_dma2 semaphore(%arg9 : memref<!tpu.dma_semaphore, #tpu.memory_space<semaphore_mem>>) src(%arg2 : memref<768xf32, #tpu.memory_space<hbm>>) dst(%arg6 : memref<768xf32, #tpu.memory_space<smem>>)
    tpu.wait_dma2 semaphore(%arg9 : memref<!tpu.dma_semaphore, #tpu.memory_space<semaphore_mem>>) src(%arg3 : memref<3xf32, #tpu.memory_space<hbm>>) dst(%arg7 : memref<3xf32, #tpu.memory_space<smem>>)
    %get3A = arith.constant 0 : i32
    %get3A_0 = arith.index_cast %get3A : i32 to index
    %get3A_1 = memref.load %arg7[%get3A_0] : memref<3xf32, #tpu.memory_space<smem>>
    %add3A = arith.constant 0.334093392 : f32
    %add3A_2 = arith.addf %get3A_1, %add3A : f32
    %get3A_3 = arith.constant 1 : i32
    %get3A_4 = arith.index_cast %get3A_3 : i32 to index
    %get3A_5 = memref.load %arg7[%get3A_4] : memref<3xf32, #tpu.memory_space<smem>>
    %add3A_6 = arith.constant 0.952019453 : f32
    %add3A_7 = arith.addf %get3A_5, %add3A_6 : f32
    %get3A_8 = arith.constant 2 : i32
    %get3A_9 = arith.index_cast %get3A_8 : i32 to index
    %get3A_10 = memref.load %arg7[%get3A_9] : memref<3xf32, #tpu.memory_space<smem>>
    %add3A_11 = arith.constant 0.725530564 : f32
    %add3A_12 = arith.addf %get3A_10, %add3A_11 : f32
    %scan3A = arith.constant 0 : i32
    %scan3A_13 = arith.constant 256 : i32
    %scan3A_14 = arith.addi %scan3A, %scan3A_13 : i32
    %scan3A_15 = arith.constant 1 : i32
    %scan3A_16:3 = scf.for %scan3A_24 = %scan3A to %scan3A_14 step %scan3A_15 iter_args(%scan3A_25 = %add3A_2, %scan3A_26 = %add3A_7, %scan3A_27 = %add3A_12) -> (f32, f32, f32)  : i32 {
      %get3A_28 = arith.index_cast %scan3A_24 : i32 to index
      %get3A_29 = memref.load %arg5[%get3A_28] : memref<256xf32, #tpu.memory_space<smem>>
      %get3A_30 = arith.index_cast %scan3A_24 : i32 to index
      %get3A_31 = memref.load %arg6[%get3A_30] : memref<768xf32, #tpu.memory_space<smem>>
      %mul3A = arith.mulf %get3A_31, %get3A_29 : f32
      %add3A_32 = arith.addf %scan3A_25, %mul3A : f32
      %add3A_33 = arith.constant 256 : i32
      %add3A_34 = arith.addi %add3A_33, %scan3A_24 : i32
      %get3A_35 = arith.index_cast %add3A_34 : i32 to index
      %get3A_36 = memref.load %arg6[%get3A_35] : memref<768xf32, #tpu.memory_space<smem>>
      %mul3A_37 = arith.mulf %get3A_36, %get3A_29 : f32
      %add3A_38 = arith.addf %scan3A_26, %mul3A_37 : f32
      %add3A_39 = arith.constant 512 : i32
      %add3A_40 = arith.addi %add3A_39, %scan3A_24 : i32
      %get3A_41 = arith.index_cast %add3A_40 : i32 to index
      %get3A_42 = memref.load %arg6[%get3A_41] : memref<768xf32, #tpu.memory_space<smem>>
      %mul3A_43 = arith.mulf %get3A_42, %get3A_29 : f32
      %add3A_44 = arith.addf %scan3A_27, %mul3A_43 : f32
      scf.yield %add3A_32, %add3A_38, %add3A_44 : f32, f32, f32
    }
    %scan3A_17 = arith.constant 256 : i32
    %gt3A = arith.cmpf ogt, %scan3A_16#1, %scan3A_16#0 : f32
    %jit3A = arith.constant 1 : i32
    %jit3A_18 = arith.constant 0 : i32
    %select_n3A = arith.select %gt3A, %jit3A, %jit3A_18 : i32
    %max3A = arith.maximumf %scan3A_16#0, %scan3A_16#1 : f32
    %gt3A_19 = arith.cmpf ogt, %scan3A_16#2, %max3A : f32
    %jit3A_20 = arith.constant 2 : i32
    %select_n3A_21 = arith.select %gt3A_19, %jit3A_20, %select_n3A : i32
    %swap3A = arith.constant 0 : i32
    %swap3A_22 = arith.index_cast %swap3A : i32 to index
    %swap3A_23 = memref.load %arg8[%swap3A_22] : memref<1xi32, #tpu.memory_space<smem>>
    memref.store %select_n3A_21, %arg8[%swap3A_22] : memref<1xi32, #tpu.memory_space<smem>>
    tpu.enqueue_dma source(%arg8 : memref<1xi32, #tpu.memory_space<smem>>) target(%arg4 : memref<1xi32, #tpu.memory_space<hbm>>) target_semaphore(%arg9 : memref<!tpu.dma_semaphore, #tpu.memory_space<semaphore_mem>>)
    tpu.wait_dma2 semaphore(%arg9 : memref<!tpu.dma_semaphore, #tpu.memory_space<semaphore_mem>>) src(%arg8 : memref<1xi32, #tpu.memory_space<smem>>) dst(%arg4 : memref<1xi32, #tpu.memory_space<hbm>>)
    return
  }
}

</mosaic_0001>

<sc_bundles>
// kernel: kernel.3.cloned.1.call-start
scs
__scs_entry_jumppad:
0x0: {  	(pc) =	sbr.rel $0x88, $3  }
0x1: {  	(tag) =	ssettag $0x0;
	lr =	simm.s32 $0x1  }
0x2: {  	[smem:$0x3F9E] =	sst lr;
	_ =	strace $0xD0000000  }
0x3: {  	_ = 	snop  }
0x4: {  	_ = 	snop  }
0x5: {  	_ = 	snop  }
0x6: {  	_ = 	snop  }
0x7: {  	_ = 	snop  }
__scs_overlays_trampoline_lowered:
0x8: {  	[smem:$0x3FAD] =	sst s0  }
0x9: {  	[smem:$0x3FAE] =	sst s1  }
0xa: {  	[smem:$0x3FAF] =	sst s2  }
0xb: {  	[smem:$0x3FB0] =	sst s3  }
0xc: {  	[smem:$0x3FB1] =	sst s4  }
0xd: {  	[smem:$0x3FB2] =	sst s5  }
0xe: {  	[smem:$0x3FB3] =	sst s6  }
0xf: {  	[smem:$0x3FB4] =	sst s7  }
0x10: {  	[smem:$0x3FB5] =	sst s8  }
0x11: {  	[smem:$0x3FB6] =	sst s9;
	s0 =	simm.s32 @!p0 $0x0  }
0x12: {  	s1 =	sld [smem:$0x3F9C];
	s0 =	simm.s32 @p0 $0x1  }
0x13: {  	[smem:$0x3FB7] =	sst s0;
	s0 =	simm.s32 @!p1 $0x0  }
0x14: {  	s2 =	sld [smem:$0x3F9B];
	s0 =	simm.s32 @p1 $0x1  }
0x15: {  	[smem:$0x3FB8] =	sst s0;
	s0 =	simm.s32 @!p2 $0x0  }
0x16: {  	s3 =	sld [smem:$0x3FDB];
	s0 =	simm.s32 @p2 $0x1  }
0x17: {  	s4 =	simm.s32 $0x1BF5;
	[smem:$0x3FBA] =	sst s0  }
0x18: {  	s0 =	sld [smem:$0x3F9D];
	_ =	swait.ge [sflag:s4], $0x0  }
0x19: {  	s7 =	sld [smem:$0x3F9E]  }
0x1a: {  	s8 =	sadd.s32 $0xFFFFE003, lr  }
0x1b: {  	s9 =	sadd.s32 $0xFFFFFEF7, lr;
	s5 =	simm.s32 $0xFFFFFFFF;
	p2 =	slt.u32 s8, $0xFFFFF086  }
0x1c: {  	p1 =	slt.u32 s9, $0xF7A;
	s5 =	simm.s32 @!p2 $0x0  }
0x1d: {  	s5 =	simm.s32 @p1 $0x1;
	p0 =	seq.s32 s7, s2  }
0x1e: {  	s7 =	smul.u32 @!p0 $0xF7A, s2;
	p2 =	seq.s32 @!p0 s5, $0x0  }
0x1f: {  	s9 =	smul.u32 $0xF7A, s1;
	s8 =	simm.s32 @!p0 $0x1BF5;
	p2 =	por !p2, p0  }
0x20: {  	[sflag:s8] =	ssyncset.s32 @!p0 $0xFFFFF086;
	s6 =	sadd.s32 @!p0 s3, s7;
	s7 =	simm.s32 @!p0 $0x108  }
0x21: {  	s3 =	sadd.s32 s3, s9;
	s6 =	sadd.s32 @!p0 $0x88, s6;
	s7 =	simm.s32 @p2 $0x1082  }
0x22: {  	[simem:s7], [sflag:s8] =	dma.local @!p0 [hbm:s6], $0xF7A  }
0x23: {  	s9 =	sor.u32 $0xD0000000, s2;
	s6 =	simm.s32 $0x108;
	_ =	swait.ge @!p0 [sflag:s8], $0x0  }
0x24: {  	s3 =	sadd.s32 $0x88, s3;
	s6 =	simm.s32 @!p1 $0x1082;
	[sflag:s4] =	ssyncset.s32 $0xFFFFF086  }
0x25: {  	[simem:s6], [sflag:s4] =	dma.local [hbm:s3], $0xF7A  }
0x26: {  	[smem:$0x3F9E] =	sst s1;
	(tag) =	ssettag s2;
	_ =	strace s9  }
0x27: {  	s1 =	sld [smem:$0x3FAE]  }
0x28: {  	s2 =	sld [smem:$0x3FAF]  }
0x29: {  	s4 =	sld [smem:$0x3FB1]  }
0x2a: {  	p0 =	seq.s32 s5, $0x0;
	s5 =	sld [smem:$0x3FB2]  }
0x2b: {  	s6 =	sld [smem:$0x3FB3]  }
0x2c: {  	s7 =	sld [smem:$0x3FB4]  }
0x2d: {  	s3 =	simm.s32 $0x108;
	s8 =	sld [smem:$0x3FB5]  }
0x2e: {  	s3 =	simm.s32 @!p0 $0x1082;
	s9 =	sld [smem:$0x3FB6]  }
0x2f: {  	lr =	sadd.s32 s0, s3;
	s0 =	sld [smem:$0x3FAD]  }
0x30: {  	s3 =	sld [smem:$0x3FB0]  }
0x31: {  	[smem:$0x3FB9] =	sst s10  }
0x32: {  	s10 =	sld [smem:$0x3FB7];
	_ =	sdelay $0x3  }
0x33: {  	p0 =	seq.s32 s10, $0x1;
	s10 =	sld [smem:$0x3FB9];
	_ =	sdelay $0x3  }
0x34: {  	[smem:$0x3FB9] =	sst s10  }
0x35: {  	s10 =	sld [smem:$0x3FB8];
	_ =	sdelay $0x3  }
0x36: {  	p1 =	seq.s32 s10, $0x1;
	s10 =	sld [smem:$0x3FB9];
	_ =	sdelay $0x3  }
0x37: {  	[smem:$0x3FB9] =	sst s10  }
0x38: {  	s10 =	sld [smem:$0x3FBA]  }
0x39: {  	_ = 	snop;
	(pc) =	sbr.ind lr, $3  }
0x3a: {  	_ = 	snop  }
0x3b: {  	_ = 	snop  }
0x3c: {  	p2 =	seq.s32 s10, $0x1;
	s10 =	sld [smem:$0x3FB9]  }
0x3d: {  	_ =	shalt  }
0x3e: {  	_ =	shalt  }
0x3f: {  	_ =	shalt  }
0x40: {  	_ =	shalt  }
0x41: {  	_ =	shalt  }
0x42: {  	_ =	shalt  }
0x43: {  	_ =	shalt  }
0x44: {  	_ =	shalt  }
0x45: {  	_ =	shalt  }
0x46: {  	_ =	shalt  }
0x47: {  	_ =	shalt  }
0x48: {  	_ =	shalt  }
0x49: {  	_ =	shalt  }
0x4a: {  	_ =	shalt  }
0x4b: {  	_ =	shalt  }
0x4c: {  	_ =	shalt  }
0x4d: {  	_ =	shalt  }
0x4e: {  	_ =	shalt  }
0x4f: {  	_ =	shalt  }
0x50: {  	_ =	shalt  }
0x51: {  	_ =	shalt  }
0x52: {  	_ =	shalt  }
0x53: {  	_ =	shalt  }
0x54: {  	_ =	shalt  }
0x55: {  	_ =	shalt  }
0x56: {  	_ =	shalt  }
0x57: {  	_ =	shalt  }
0x58: {  	_ =	shalt  }
0x59: {  	_ =	shalt  }
0x5a: {  	_ =	shalt  }
0x5b: {  	_ =	shalt  }
0x5c: {  	_ =	shalt  }
0x5d: {  	_ =	shalt  }
0x5e: {  	_ =	shalt  }
0x5f: {  	_ =	shalt  }
0x60: {  	_ =	shalt  }
0x61: {  	_ =	shalt  }
0x62: {  	_ =	shalt  }
0x63: {  	_ =	shalt  }
0x64: {  	_ =	shalt  }
0x65: {  	_ =	shalt  }
0x66: {  	_ =	shalt  }
0x67: {  	_ =	shalt  }
0x68: {  	_ =	shalt  }
0x69: {  	_ =	shalt  }
0x6a: {  	_ =	shalt  }
0x6b: {  	_ =	shalt  }
0x6c: {  	_ =	shalt  }
0x6d: {  	_ =	shalt  }
0x6e: {  	_ =	shalt  }
0x6f: {  	_ =	shalt  }
0x70: {  	_ =	shalt  }
0x71: {  	_ =	shalt  }
0x72: {  	_ =	shalt  }
0x73: {  	_ =	shalt  }
0x74: {  	_ =	shalt  }
0x75: {  	_ =	shalt  }
0x76: {  	_ =	shalt  }
0x77: {  	_ =	shalt  }
0x78: {  	_ =	shalt  }
0x79: {  	_ =	shalt  }
0x7a: {  	_ =	shalt  }
0x7b: {  	_ =	shalt  }
0x7c: {  	_ =	shalt  }
0x7d: {  	_ =	shalt  }
0x7e: {  	_ =	shalt  }
0x7f: {  	_ =	shalt  }
0x80: {  	_ =	shalt  }
0x81: {  	_ =	shalt  }
0x82: {  	_ =	shalt  }
0x83: {  	_ =	shalt  }
0x84: {  	_ =	shalt  }
0x85: {  	_ =	shalt  }
0x86: {  	_ =	shalt  }
0x87: {  	_ =	shalt  }
.Lfunc_end0:
.L_simem_size_0:
called_computation_lowered:
.L_overlay_start_0:
0x88: {  	s0 =	sld [smem:$0x3FD9]  }
0x89: {  	s1 =	sld [smem:$0x3FFE];
	_ =	sdelay $0x3  }
0x8a: {  	s0 =	sadd.s32 s1, s0  }
0x8b: {  	[smem:$0x3FC5] =	sst s0  }
0x8c: {  	_ = 	snop  }
0x8d: {  	s2 =	sld [smem:$0x3FC7]  }
0x8e: {  	s0 =	sld [smem:$0x3FD0];
	(tm) =	ssettm $0x1  }
0x8f: {  	s19 =	sld [smem:$0x3FFB];
	_ =	sdelay $0x3  }
0x90: {  	_ =	strace s19  }
0x91: {  	s1 =	sld [smem:$0x3FFC];
	_ =	sdelay $0x3  }
0x92: {  	_ =	strace s1  }
0x93: {  	s1 =	sld [smem:$0x3FFD];
	_ =	sdelay $0x3  }
0x94: {  	_ =	strace s1  }
0x95: {  	s20 =	simm.s32 $0x1B8B;
	_ =	strace $0x8FFFFFFF  }
0x96: {  	_ =	swait.ge [sflag:s20], $0x1  }
0x97: {  	s3 =	sld [smem:$0x3FFE]  }
0x98: {  	s21 =	simm.s32 $0x1B8E;
	[sflag:s20] =	ssyncset.done $0x0  }
0x99: {  	s5 =	simm.s32 $0x10;
	s22 =	simm.s32 $0x110;
	[sflag:s20] =	ssyncadd.s32 $0xFFFFFFFF  }
0x9a: {  	s23 =	simm.s32 $0x410;
	s1 =	simm.s32 $0x9;
	[smem:$0x3FD2] =	sst s21  }
0x9b: {  	_ =	strace $0x80000046;
	s4 =	sadd.s32 $0x600, s3;
	s3 =	sadd.s32 $0x800, s3  }
0x9c: {  	[smem:s5], [sflag:s1] =	dma.local [hbm:s4], $0x20  }
0x9d: {  	[smem:s22], [sflag:s1] =	dma.local [hbm:s3], $0x60  }
0x9e: {  	[smem:s23], [sflag:s1] =	dma.local [hbm:s2], $0x10  }
0x9f: {  	_ =	swait.ge [sflag:s1], $0x20  }
0xa0: {  	[sflag:s1] =	ssyncset.done $0x0  }
0xa1: {  	[sflag:s1] =	ssyncadd.s32 $0xFFFFFFE0;
	_ =	sdelay $0x2  }
0xa2: {  	_ =	swait.ge [sflag:s1], $0x60  }
0xa3: {  	[sflag:s1] =	ssyncset.done $0x0  }
0xa4: {  	[sflag:s1] =	ssyncadd.s32 $0xFFFFFFA0;
	_ =	sdelay $0x2  }
0xa5: {  	_ =	swait.ge [sflag:s1], $0x10  }
0xa6: {  	[sflag:s1] =	ssyncset.done $0x0  }
0xa7: {  	[sflag:s1] =	ssyncadd.s32 $0xFFFFFFF0  }
0xa8: {  	s24 =	sld [smem:$0x410]  }
0xa9: {  	s26 =	sld [smem:$0x411]  }
0xaa: {  	s28 =	sld [smem:$0x412]  }
0xab: {  	s7 =	simm.s32 $0x0;
	s6 =	sld [smem:$0x110]  }
0xac: {  	s29 =	sand.u32 $0xFF, s7;
	s10 =	sld [smem:$0x10]  }
0xad: {  	s9 =	sld [smem:s29+$0x310]  }
0xae: {  	s11 =	sld [smem:s29+$0x210]  }
0xaf: {  	s25 =	sadd.f32 $3.340933920e-01, s24  }
0xb0: {  	s3 =	sadd.f32 $9.520194530e-01, s26  }
0xb1: {  	s31 =	simm.s32 $0x1;
	s13 =	sadd.f32 $7.255305640e-01, s28  }
0xb2: {  	s8 =	simm.s32 $0x111;
	s7 =	sld [smem:$0x111];
	s30 =	smul.f32 s6, s10  }
0xb3: {  	s12 =	sand.u32 $0xFF, s31;
	s5 =	sld [smem:$0x11];
	s14 =	smul.f32 s9, s10  }
0xb4: {  	s2 =	srdreg.scid;
	s9 =	simm.s32 $0x11;
	s4 =	sadd.f32 s30, s25  }
0xb5: {  	s11 =	smul.f32 s11, s10;
	s10 =	simm.s32 $0x2;
	s6 =	sadd.f32 s14, s13  }
.LBB1_1:
0xb6: {  	p0 =	sne.s32 s10, $0xFF;
	s13 =	sld [smem:s12+$0x310]  }
0xb7: {  	s12 =	sld [smem:s12+$0x210]  }
0xb8: {  	s8 =	sadd.s32 $0x1, s8;
	s3 =	sadd.f32 s11, s3;
	s14 =	smul.f32 s7, s5  }
.Ltmp0:
0xb9: {  	s7 =	sld [smem:s8+$0x0];
	(pc) =	sbr.rel @p0 .LBB1_1-.Ltmp0, $3  }
0xba: {  	s9 =	sadd.s32 $0x1, s9;
	s4 =	sadd.f32 s14, s4;
	s13 =	smul.f32 s13, s5  }
0xbb: {  	s11 =	smul.f32 s12, s5;
	s5 =	sld [smem:s9+$0x0]  }
0xbc: {  	s12 =	sand.u32 $0xFF, s10;
	s10 =	sadd.s32 $0x1, s10;
	s6 =	sadd.f32 s13, s6  }
0xbd: {  	s8 =	sld [smem:s12+$0x210]  }
0xbe: {  	s9 =	sld [smem:s12+$0x310];
	_ =	sdelay $0x1  }
0xbf: {  	s7 =	smul.f32 s7, s5  }
0xc0: {  	s3 =	sadd.f32 s11, s3;
	s8 =	smul.f32 s8, s5  }
0xc1: {  	s4 =	sadd.f32 s7, s4;
	s24 =	smul.f32 s9, s5  }
0xc2: {  	s3 =	sadd.f32 s8, s3  }
0xc3: {  	s5 =	sadd.f32 s24, s6  }
0xc4: {  	p0 =	sgt.f32 s3, s4;
	s3 =	smax.f32 s4, s3  }
0xc5: {  	s4 =	simm.s32 $0x1;
	p1 =	sgt.f32 s5, s3  }
0xc6: {  	s4 =	simm.s32 @!p0 $0x0  }
0xc7: {  	s4 =	simm.s32 @p1 $0x2  }
0xc8: {  	s25 =	simm.s32 $0x490;
	s26 =	simm.s32 $0x9;
	[smem:$0x490] =	sst s4  }
0xc9: {  	[hbm:s0], [sflag:s1] =	dma.local [smem:s25], $0x10  }
0xca: {  	_ =	swait.ge [sflag:s26], $0x10  }
0xcb: {  	[sflag:s26] =	ssyncset.done $0x0  }
0xcc: {  	[sflag:s26] =	ssyncadd.s32 $0xFFFFFFF0  }
0xcd: {  	_ =	strace $0x90000046  }
0xce: {  	_ =	sfence  }
0xcf: {  	s28 =	sld [smem:$0x0];
	_ =	sdelay $0x2  }
0xd0: {  	s29 =	sshll.u32 s2, $0xD;
	s30 =	sshrl.u32 s2, $0x2  }
0xd1: {  	s31 =	sand.u32 $0x1, s2;
	s1 =	sand.u32 $0x4000, s29;
	s0 =	sadd.s32 s30, s28  }
0xd2: {  	s1 =	sor.u32 s1, s31;
	s0 =	sshll.u32 s0, $0x11  }
0xd3: {  	s0 =	sor.u32 s0, s1  }
0xd4: {  	s0 =	sadd.s32 $0x8F2B, s0;
	(pc) =	sbr.abs _section_cstart, $3  }
0xd5: {  	[sflag:s0] =	ssyncadd.remote.s32 $0x1  }
0xd6: {  	_ =	strace $0x9FFFFFFF  }
0xd7: {  	(tm) =	ssettm $0x7FFFFFFF  }

</sc_bundles>
